<compile_context>
chip_gen: v7x
topology: tpu7x:2x2x1
jax: 0.10.2.dev20260603
libtpu: 0.0.44.dev20260713+nightly
codegen_flags: <defaults>
</compile_context>

<pallas_src>
import functools

import jax
import jax.numpy as jnp
from jax import lax
from jax.experimental import pallas as pl
from jax.experimental.pallas import tpu as pltpu
from jax.experimental.pallas import tpu_sc as plsc

BIGRAM_VOCAB = 100000
HID = 128
MODEL_DIM = 1024
BATCH = 4
SEQLEN = 4096
TOK = BATCH * SEQLEN

NC, NS = 2, 16
NW = NC * NS
GSTREAM = 16


def _make_sc_gather(ctok):
    chunk = ctok // NW
    ng = -(-chunk // GSTREAM)
    gs = chunk // ng
    w_per_row = SEQLEN // chunk

    @functools.partial(
        pl.kernel,
        mesh=plsc.VectorSubcoreMesh(core_axis_name="c", subcore_axis_name="s"),
        out_type=jax.ShapeDtypeStruct((ctok, HID), jnp.float32),
        compiler_params=pltpu.CompilerParams(skip_device_barrier=True),
        scratch_types=[
            pltpu.VMEM((chunk + 16,), jnp.int32),
            pltpu.VMEM((chunk,), jnp.int32),
            pltpu.VMEM((chunk, HID), jnp.float32),
            pltpu.SemaphoreType.DMA,
            pltpu.SemaphoreType.DMA,
            pltpu.SemaphoreType.DMA,
        ],
    )
    def sc_gather(pad_hbm, table_hbm, h_hbm, ids_v, idx_v, rows_v,
                  sem_in, sem_g, sem_w):
        wid = lax.axis_index("s") * NC + lax.axis_index("c")
        base = wid * chunk
        pltpu.async_copy(pad_hbm.at[pl.ds(base, chunk + 16)], ids_v,
                         sem_in).wait()
        lane = lax.iota(jnp.int32, 16)
        keep0 = jnp.broadcast_to(
            jnp.minimum(lax.rem(wid, jnp.int32(w_per_row)), jnp.int32(1)),
            (16,))
        vecs_per_g = gs // 16

        def fire_body(j, carry):
            for v in range(vecs_per_g):
                i = j * vecs_per_g + v
                cur = ids_v[pl.ds(16 + i * 16, 16)]
                prev = ids_v[pl.ds(15 + i * 16, 16)]
                keep = jnp.minimum(
                    lane + keep0 + jnp.minimum(i, jnp.int32(1)), jnp.int32(1))
                h = lax.rem(prev * keep * 3 + cur, jnp.int32(100000))
                idx_v[pl.ds(i * 16, 16)] = h
            off = pl.multiple_of(j * gs, 8)
            pltpu.async_copy(table_hbm.at[idx_v.at[pl.ds(off, gs)]],
                             rows_v.at[pl.ds(off, gs)], sem_g)
            return carry
        lax.fori_loop(jnp.int32(0), jnp.int32(ng), fire_body, jnp.int32(0))

        def drain_body(j, carry):
            pltpu.make_async_copy(table_hbm.at[idx_v.at[pl.ds(0, gs)]],
                                  rows_v.at[pl.ds(0, gs)], sem_g).wait()
            off = pl.multiple_of(j * gs, 8)
            pltpu.async_copy(rows_v.at[pl.ds(off, gs)],
                             h_hbm.at[pl.ds(base + off, gs)], sem_w)
            return carry
        lax.fori_loop(jnp.int32(0), jnp.int32(ng), drain_body, jnp.int32(0))

        def drainw_body(j, carry):
            pltpu.make_async_copy(rows_v.at[pl.ds(0, gs)],
                                  h_hbm.at[pl.ds(0, gs)], sem_w).wait()
            return carry
        lax.fori_loop(jnp.int32(0), jnp.int32(ng), drainw_body, jnp.int32(0))

    return sc_gather


_sc_gather_chunk = _make_sc_gather(TOK)


def _proj_body(h_ref, w_ref, o_ref):
    o_ref[...] = lax.dot_general(
        h_ref[...], w_ref[...], (((1,), (1,)), ((), ())),
        preferred_element_type=jnp.float32)


_ROWS_BLK = 2048


def _tc_project(h, Wproj):
    rows = h.shape[0]
    return pl.pallas_call(
        _proj_body,
        grid=(rows // _ROWS_BLK,),
        in_specs=[
            pl.BlockSpec((_ROWS_BLK, HID), lambda i: (i, jnp.int32(0))),
            pl.BlockSpec((MODEL_DIM, HID),
                         lambda i: (jnp.int32(0), jnp.int32(0))),
        ],
        out_specs=pl.BlockSpec((_ROWS_BLK, MODEL_DIM),
                               lambda i: (i, jnp.int32(0))),
        out_shape=jax.ShapeDtypeStruct((rows, MODEL_DIM), jnp.float32),
    )(h, Wproj)


def kernel(input_ids, table, Wproj):
    padded = jnp.concatenate(
        [jnp.zeros((16,), jnp.int32), input_ids.reshape(TOK).astype(jnp.int32)])
    h = _sc_gather_chunk(padded, table)
    out = _tc_project(h, Wproj)
    return out.reshape(BATCH, SEQLEN, MODEL_DIM)

# --- scband reference (transcript-rebuilt; emitter-appended) ---
"""Pipeline reference for scband-bigram-hash-embedding-15126874817111 (READ-ONLY COPY).

The authoritative reference and input builder live on the scoring server;
editing this copy changes nothing except your own understanding.
"""

import jax
jax.config.update("jax_enable_x64", True)
import jax.numpy as jnp
import numpy as np

BIGRAM_VOCAB = 100000
BIGRAM_HIDDEN = 128
MODEL_DIM = 1024
BATCH = 4
SEQLEN = 4096
TOKEN_VOCAB = 50257


def setup_inputs(seed: int = 0) -> dict:
    key = jax.random.key(seed)
    k1, k2, k3 = jax.random.split(key, 3)
    input_ids = jax.random.randint(k1, (BATCH, SEQLEN), 0, TOKEN_VOCAB, dtype=jnp.int64)
    # hash table, std=0.01 as in the torch module
    table = jax.random.normal(k2, (BIGRAM_VOCAB, BIGRAM_HIDDEN), dtype=jnp.float32) * 0.01
    # projection weight [model_dim, bigram_hidden]; torch inits zeros, but we use
    # small random values so the forward output is non-degenerate for testing.
    Wproj = jax.random.normal(k3, (MODEL_DIM, BIGRAM_HIDDEN), dtype=jnp.float32) * 0.02
    return {"input_ids": input_ids, "table": table, "Wproj": Wproj}


def reference(input_ids, table, Wproj):
    # prev token (shifted right, zero-padded at position 0)
    prev = jnp.zeros_like(input_ids)
    prev = prev.at[:, 1:].set(input_ids[:, :-1])
    # bigram hash: (prev * 1000003 + cur) % bigram_vocab_size (needs int64)
    bigram_idx = (prev.astype(jnp.int64) * 1000003 + input_ids.astype(jnp.int64)) % BIGRAM_VOCAB
    # embedding gather from hash table
    h = jnp.take(table, bigram_idx, axis=0)  # [B, S, bigram_hidden]
    # CastedLinear with QAT disabled = plain linear, bias=None
    out = h @ Wproj.T  # [B, S, model_dim]
    return out

if __name__ == "__main__":
    import jax
    _d = setup_inputs()
    print(jax.jit(kernel)(*tuple(_d.values())))

</pallas_src>

<mosaic_0001>
#map = affine_map<(d0, d1) -> (0)>
#map1 = affine_map<(d0, d1) -> (0, 0)>
module attributes {stable_mosaic.version = 14 : i64} {
  func.func @sc_gather(%arg0: i32, %arg1: i32, %arg2: memref<16400xi32, #tpu.memory_space<hbm>>, %arg3: memref<100000x128xf32, #tpu.memory_space<hbm>>, %arg4: memref<16384x128xf32, #tpu.memory_space<hbm>>, %arg5: memref<528xi32, #tpu.memory_space<vmem>>, %arg6: memref<512xi32, #tpu.memory_space<vmem>>, %arg7: memref<512x128xf32, #tpu.memory_space<vmem>>, %arg8: memref<!tpu.dma_semaphore, #tpu.memory_space<semaphore_mem>>, %arg9: memref<!tpu.dma_semaphore, #tpu.memory_space<semaphore_mem>>, %arg10: memref<!tpu.dma_semaphore, #tpu.memory_space<semaphore_mem>>) attributes {dimension_semantics = [#tpu.dimension_semantics<core_parallel>, #tpu.dimension_semantics<subcore_parallel>], iteration_bounds = array<i64: 2, 16>, scalar_prefetch = 0 : i64, scratch_operands = 6 : i64, tpu.core_type = #tpu.core_type<sc_vector_subcore>, window_params = [{transform_indices = #map}, {transform_indices = #map1}, {transform_indices = #map1}]} {
    %mul3A = arith.constant 2 : i32
    %mul3A_0 = arith.muli %arg1, %mul3A : i32
    %add3A = arith.addi %mul3A_0, %arg0 : i32
    %mul3A_1 = arith.constant 512 : i32
    %mul3A_2 = arith.muli %add3A, %mul3A_1 : i32
    %dma_start3A = tpu.memref_slice %arg2[%mul3A_2] : memref<16400xi32, #tpu.memory_space<hbm>> -> memref<528xi32, #tpu.memory_space<hbm>>
    %dma_start3A_3 = tpu.memref_slice %arg2[%mul3A_2] : memref<16400xi32, #tpu.memory_space<hbm>> -> memref<528xi32, #tpu.memory_space<hbm>>
    tpu.enqueue_dma source(%dma_start3A_3 : memref<528xi32, #tpu.memory_space<hbm>>) target(%arg5 : memref<528xi32, #tpu.memory_space<vmem>>) target_semaphore(%arg8 : memref<!tpu.dma_semaphore, #tpu.memory_space<semaphore_mem>>)
    %dma_wait3A = tpu.memref_slice %arg2[%mul3A_2] : memref<16400xi32, #tpu.memory_space<hbm>> -> memref<528xi32, #tpu.memory_space<hbm>>
    %dma_wait3A_4 = tpu.memref_slice %arg2[%mul3A_2] : memref<16400xi32, #tpu.memory_space<hbm>> -> memref<528xi32, #tpu.memory_space<hbm>>
    tpu.wait_dma2 semaphore(%arg8 : memref<!tpu.dma_semaphore, #tpu.memory_space<semaphore_mem>>) src(%dma_wait3A_4 : memref<528xi32, #tpu.memory_space<hbm>>) dst(%arg5 : memref<528xi32, #tpu.memory_space<vmem>>)
    %iota3A = tpu.iota {dimensions = array<i32: 0>} : vector<16xi32>
    %rem3A = arith.constant 8 : i32
    %rem3A_5 = arith.remsi %add3A, %rem3A : i32
    %min3A = arith.constant 1 : i32
    %min3A_6 = arith.minsi %rem3A_5, %min3A : i32
    %broadcast_in_dim3A = vector.broadcast %min3A_6 : i32 to vector<16xi32>
    %while3A = arith.constant 0 : i32
    %while3A_7 = arith.constant 0 : i32
    %while3A_8 = arith.constant 32 : i32
    %while3A_9 = arith.subi %while3A_8, %while3A_7 : i32
    %while3A_10 = arith.addi %while3A_7, %while3A_9 : i32
    %while3A_11 = arith.constant 1 : i32
    %while3A_12 = arith.divsi %while3A_9, %while3A_11 : i32
    %while3A_13 = arith.muli %while3A_12, %while3A_11 : i32
    %while3A_14 = arith.addi %while3A_7, %while3A_13 : i32
    %while3A_15 = arith.constant 1 : i32
    scf.for %while3A_39 = %while3A_7 to %while3A_14 step %while3A_15  : i32 {
      %mul3A_40 = arith.constant 1 : i32
      %mul3A_41 = arith.muli %while3A_39, %mul3A_40 : i32
      %add3A_42 = arith.constant 0 : i32
      %add3A_43 = arith.addi %mul3A_41, %add3A_42 : i32
      %mul3A_44 = arith.constant 16 : i32
      %mul3A_45 = arith.muli %add3A_43, %mul3A_44 : i32
      %add3A_46 = arith.constant 16 : i32
      %add3A_47 = arith.addi %add3A_46, %mul3A_45 : i32
      %get3A = arith.index_cast %add3A_47 : i32 to index
      %get3A_48 = tpu.vector_load %arg5[%get3A] {strides = array<i32>} : memref<528xi32, #tpu.memory_space<vmem>>, vector<16xi32>,
      %get3A_49 = vector.shape_cast %get3A_48 : vector<16xi32> to vector<16xi32>
      %mul3A_50 = arith.constant 16 : i32
      %mul3A_51 = arith.muli %add3A_43, %mul3A_50 : i32
      %add3A_52 = arith.constant 15 : i32
      %add3A_53 = arith.addi %add3A_52, %mul3A_51 : i32
      %get3A_54 = arith.index_cast %add3A_53 : i32 to index
      %get3A_55 = tpu.vector_load %arg5[%get3A_54] {strides = array<i32>} : memref<528xi32, #tpu.memory_space<vmem>>, vector<16xi32>,
      %get3A_56 = vector.shape_cast %get3A_55 : vector<16xi32> to vector<16xi32>
      %add3A_57 = arith.addi %iota3A, %broadcast_in_dim3A : vector<16xi32>
      %min3A_58 = arith.constant 1 : i32
      %min3A_59 = arith.minsi %add3A_43, %min3A_58 : i32
      %add3A_60 = vector.broadcast %min3A_59 : i32 to vector<16xi32>
      %add3A_61 = arith.addi %add3A_57, %add3A_60 : vector<16xi32>
      %min3A_62 = arith.constant 1 : i32
      %min3A_63 = vector.broadcast %min3A_62 : i32 to vector<16xi32>
      %min3A_64 = arith.minsi %add3A_61, %min3A_63 : vector<16xi32>
      %mul3A_65 = arith.muli %get3A_56, %min3A_64 : vector<16xi32>
      %mul3A_66 = arith.constant 3 : i32
      %mul3A_67 = vector.broadcast %mul3A_66 : i32 to vector<16xi32>
      %mul3A_68 = arith.muli %mul3A_65, %mul3A_67 : vector<16xi32>
      %add3A_69 = arith.addi %mul3A_68, %get3A_49 : vector<16xi32>
      %rem3A_70 = arith.constant 100000 : i32
      %rem3A_71 = vector.broadcast %rem3A_70 : i32 to vector<16xi32>
      %rem3A_72 = arith.remsi %add3A_69, %rem3A_71 : vector<16xi32>
      %mul3A_73 = arith.constant 16 : i32
      %mul3A_74 = arith.muli %add3A_43, %mul3A_73 : i32
      %swap3A = arith.index_cast %mul3A_74 : i32 to index
      %swap3A_75 = tpu.vector_load %arg6[%swap3A] {strides = array<i32>} : memref<512xi32, #tpu.memory_space<vmem>>, vector<16xi32>,
      %swap3A_76 = vector.shape_cast %swap3A_75 : vector<16xi32> to vector<16xi32>
      %swap3A_77 = vector.shape_cast %rem3A_72 : vector<16xi32> to vector<16xi32>
      tpu.vector_store %arg6[%swap3A], %swap3A_77 {strides = array<i32>} : memref<512xi32, #tpu.memory_space<vmem>>, vector<16xi32>,
      %mul3A_78 = arith.constant 16 : i32
      %mul3A_79 = arith.muli %while3A_39, %mul3A_78 : i32
      %multiple_of3A = tpu.assume_multiple %mul3A_79, 8 : i32
      %dma_start3A_80 = arith.constant 0 : i32
      %dma_start3A_81 = tpu.memref_slice %arg7[%multiple_of3A, %dma_start3A_80] : memref<512x128xf32, #tpu.memory_space<vmem>> -> memref<16x128xf32, #tpu.memory_space<vmem>>
      %dma_start3A_82 = tpu.memref_slice %arg6[%multiple_of3A] : memref<512xi32, #tpu.memory_space<vmem>> -> memref<16xi32, #tpu.memory_space<vmem>>
      %dma_start3A_83 = arith.constant 0 : i32
      %dma_start3A_84 = arith.constant 0 : i32
      %dma_start3A_85 = tpu.memref_slice %arg3[%dma_start3A_83, %dma_start3A_84] : memref<100000x128xf32, #tpu.memory_space<hbm>> -> memref<100000x128xf32, #tpu.memory_space<hbm>>
      tpu.enqueue_indirect_dma source(%dma_start3A_85 : memref<100000x128xf32, #tpu.memory_space<hbm>>) target(%dma_start3A_81 : memref<16x128xf32, #tpu.memory_space<vmem>>) offsets(%dma_start3A_82 : memref<16xi32, #tpu.memory_space<vmem>>) semaphore(%arg9 : memref<!tpu.dma_semaphore, #tpu.memory_space<semaphore_mem>>)
    }
    %while3A_16 = arith.constant 1 : i32
    scf.for %while3A_39 = %while3A_14 to %while3A_10 step %while3A_16  : i32 {
      %mul3A_40 = arith.constant 1 : i32
      %mul3A_41 = arith.muli %while3A_39, %mul3A_40 : i32
      %add3A_42 = arith.constant 0 : i32
      %add3A_43 = arith.addi %mul3A_41, %add3A_42 : i32
      %mul3A_44 = arith.constant 16 : i32
      %mul3A_45 = arith.muli %add3A_43, %mul3A_44 : i32
      %add3A_46 = arith.constant 16 : i32
      %add3A_47 = arith.addi %add3A_46, %mul3A_45 : i32
      %get3A = arith.index_cast %add3A_47 : i32 to index
      %get3A_48 = tpu.vector_load %arg5[%get3A] {strides = array<i32>} : memref<528xi32, #tpu.memory_space<vmem>>, vector<16xi32>,
      %get3A_49 = vector.shape_cast %get3A_48 : vector<16xi32> to vector<16xi32>
      %mul3A_50 = arith.constant 16 : i32
      %mul3A_51 = arith.muli %add3A_43, %mul3A_50 : i32
      %add3A_52 = arith.constant 15 : i32
      %add3A_53 = arith.addi %add3A_52, %mul3A_51 : i32
      %get3A_54 = arith.index_cast %add3A_53 : i32 to index
      %get3A_55 = tpu.vector_load %arg5[%get3A_54] {strides = array<i32>} : memref<528xi32, #tpu.memory_space<vmem>>, vector<16xi32>,
      %get3A_56 = vector.shape_cast %get3A_55 : vector<16xi32> to vector<16xi32>
      %add3A_57 = arith.addi %iota3A, %broadcast_in_dim3A : vector<16xi32>
      %min3A_58 = arith.constant 1 : i32
      %min3A_59 = arith.minsi %add3A_43, %min3A_58 : i32
      %add3A_60 = vector.broadcast %min3A_59 : i32 to vector<16xi32>
      %add3A_61 = arith.addi %add3A_57, %add3A_60 : vector<16xi32>
      %min3A_62 = arith.constant 1 : i32
      %min3A_63 = vector.broadcast %min3A_62 : i32 to vector<16xi32>
      %min3A_64 = arith.minsi %add3A_61, %min3A_63 : vector<16xi32>
      %mul3A_65 = arith.muli %get3A_56, %min3A_64 : vector<16xi32>
      %mul3A_66 = arith.constant 3 : i32
      %mul3A_67 = vector.broadcast %mul3A_66 : i32 to vector<16xi32>
      %mul3A_68 = arith.muli %mul3A_65, %mul3A_67 : vector<16xi32>
      %add3A_69 = arith.addi %mul3A_68, %get3A_49 : vector<16xi32>
      %rem3A_70 = arith.constant 100000 : i32
      %rem3A_71 = vector.broadcast %rem3A_70 : i32 to vector<16xi32>
      %rem3A_72 = arith.remsi %add3A_69, %rem3A_71 : vector<16xi32>
      %mul3A_73 = arith.constant 16 : i32
      %mul3A_74 = arith.muli %add3A_43, %mul3A_73 : i32
      %swap3A = arith.index_cast %mul3A_74 : i32 to index
      %swap3A_75 = tpu.vector_load %arg6[%swap3A] {strides = array<i32>} : memref<512xi32, #tpu.memory_space<vmem>>, vector<16xi32>,
      %swap3A_76 = vector.shape_cast %swap3A_75 : vector<16xi32> to vector<16xi32>
      %swap3A_77 = vector.shape_cast %rem3A_72 : vector<16xi32> to vector<16xi32>
      tpu.vector_store %arg6[%swap3A], %swap3A_77 {strides = array<i32>} : memref<512xi32, #tpu.memory_space<vmem>>, vector<16xi32>,
      %mul3A_78 = arith.constant 16 : i32
      %mul3A_79 = arith.muli %while3A_39, %mul3A_78 : i32
      %multiple_of3A = tpu.assume_multiple %mul3A_79, 8 : i32
      %dma_start3A_80 = arith.constant 0 : i32
      %dma_start3A_81 = tpu.memref_slice %arg7[%multiple_of3A, %dma_start3A_80] : memref<512x128xf32, #tpu.memory_space<vmem>> -> memref<16x128xf32, #tpu.memory_space<vmem>>
      %dma_start3A_82 = tpu.memref_slice %arg6[%multiple_of3A] : memref<512xi32, #tpu.memory_space<vmem>> -> memref<16xi32, #tpu.memory_space<vmem>>
      %dma_start3A_83 = arith.constant 0 : i32
      %dma_start3A_84 = arith.constant 0 : i32
      %dma_start3A_85 = tpu.memref_slice %arg3[%dma_start3A_83, %dma_start3A_84] : memref<100000x128xf32, #tpu.memory_space<hbm>> -> memref<100000x128xf32, #tpu.memory_space<hbm>>
      tpu.enqueue_indirect_dma source(%dma_start3A_85 : memref<100000x128xf32, #tpu.memory_space<hbm>>) target(%dma_start3A_81 : memref<16x128xf32, #tpu.memory_space<vmem>>) offsets(%dma_start3A_82 : memref<16xi32, #tpu.memory_space<vmem>>) semaphore(%arg9 : memref<!tpu.dma_semaphore, #tpu.memory_space<semaphore_mem>>)
    }
    %while3A_17 = arith.constant 0 : i32
    %while3A_18 = arith.constant 0 : i32
    %while3A_19 = arith.constant 32 : i32
    %while3A_20 = arith.subi %while3A_19, %while3A_18 : i32
    %while3A_21 = arith.addi %while3A_18, %while3A_20 : i32
    %while3A_22 = arith.constant 1 : i32
    %while3A_23 = arith.divsi %while3A_20, %while3A_22 : i32
    %while3A_24 = arith.muli %while3A_23, %while3A_22 : i32
    %while3A_25 = arith.addi %while3A_18, %while3A_24 : i32
    %while3A_26 = arith.constant 1 : i32
    scf.for %while3A_39 = %while3A_18 to %while3A_25 step %while3A_26  : i32 {
      %dma_wait3A_40 = arith.constant 0 : i32
      %dma_wait3A_41 = arith.constant 0 : i32
      %dma_wait3A_42 = tpu.memref_slice %arg7[%dma_wait3A_40, %dma_wait3A_41] : memref<512x128xf32, #tpu.memory_space<vmem>> -> memref<16x128xf32, #tpu.memory_space<vmem>>
      %dma_wait3A_43 = arith.constant 0 : i32
      %dma_wait3A_44 = tpu.memref_slice %arg6[%dma_wait3A_43] : memref<512xi32, #tpu.memory_space<vmem>> -> memref<16xi32, #tpu.memory_space<vmem>>
      %dma_wait3A_45 = arith.constant 0 : i32
      %dma_wait3A_46 = arith.constant 0 : i32
      %dma_wait3A_47 = tpu.memref_slice %arg3[%dma_wait3A_45, %dma_wait3A_46] : memref<100000x128xf32, #tpu.memory_space<hbm>> -> memref<100000x128xf32, #tpu.memory_space<hbm>>
      tpu.wait_indirect_dma semaphore(%arg9 : memref<!tpu.dma_semaphore, #tpu.memory_space<semaphore_mem>>) src(%dma_wait3A_47 : memref<100000x128xf32, #tpu.memory_space<hbm>>) dst(%dma_wait3A_42 : memref<16x128xf32, #tpu.memory_space<vmem>>)
      %mul3A_48 = arith.constant 16 : i32
      %mul3A_49 = arith.muli %while3A_39, %mul3A_48 : i32
      %multiple_of3A = tpu.assume_multiple %mul3A_49, 8 : i32
      %add3A_50 = arith.addi %mul3A_2, %multiple_of3A : i32
      %dma_start3A_51 = arith.constant 0 : i32
      %dma_start3A_52 = tpu.memref_slice %arg7[%multiple_of3A, %dma_start3A_51] : memref<512x128xf32, #tpu.memory_space<vmem>> -> memref<16x128xf32, #tpu.memory_space<vmem>>
      %dma_start3A_53 = arith.constant 0 : i32
      %dma_start3A_54 = tpu.memref_slice %arg4[%add3A_50, %dma_start3A_53] : memref<16384x128xf32, #tpu.memory_space<hbm>> -> memref<16x128xf32, #tpu.memory_space<hbm>>
      %dma_start3A_55 = arith.constant 0 : i32
      %dma_start3A_56 = tpu.memref_slice %arg4[%add3A_50, %dma_start3A_55] : memref<16384x128xf32, #tpu.memory_space<hbm>> -> memref<16x128xf32, #tpu.memory_space<hbm>>
      %dma_start3A_57 = arith.constant 0 : i32
      %dma_start3A_58 = tpu.memref_slice %arg7[%multiple_of3A, %dma_start3A_57] : memref<512x128xf32, #tpu.memory_space<vmem>> -> memref<16x128xf32, #tpu.memory_space<vmem>>
      tpu.enqueue_dma source(%dma_start3A_58 : memref<16x128xf32, #tpu.memory_space<vmem>>) target(%dma_start3A_56 : memref<16x128xf32, #tpu.memory_space<hbm>>) target_semaphore(%arg10 : memref<!tpu.dma_semaphore, #tpu.memory_space<semaphore_mem>>)
    }
    %while3A_27 = arith.constant 1 : i32
    scf.for %while3A_39 = %while3A_25 to %while3A_21 step %while3A_27  : i32 {
      %dma_wait3A_40 = arith.constant 0 : i32
      %dma_wait3A_41 = arith.constant 0 : i32
      %dma_wait3A_42 = tpu.memref_slice %arg7[%dma_wait3A_40, %dma_wait3A_41] : memref<512x128xf32, #tpu.memory_space<vmem>> -> memref<16x128xf32, #tpu.memory_space<vmem>>
      %dma_wait3A_43 = arith.constant 0 : i32
      %dma_wait3A_44 = tpu.memref_slice %arg6[%dma_wait3A_43] : memref<512xi32, #tpu.memory_space<vmem>> -> memref<16xi32, #tpu.memory_space<vmem>>
      %dma_wait3A_45 = arith.constant 0 : i32
      %dma_wait3A_46 = arith.constant 0 : i32
      %dma_wait3A_47 = tpu.memref_slice %arg3[%dma_wait3A_45, %dma_wait3A_46] : memref<100000x128xf32, #tpu.memory_space<hbm>> -> memref<100000x128xf32, #tpu.memory_space<hbm>>
      tpu.wait_indirect_dma semaphore(%arg9 : memref<!tpu.dma_semaphore, #tpu.memory_space<semaphore_mem>>) src(%dma_wait3A_47 : memref<100000x128xf32, #tpu.memory_space<hbm>>) dst(%dma_wait3A_42 : memref<16x128xf32, #tpu.memory_space<vmem>>)
      %mul3A_48 = arith.constant 16 : i32
      %mul3A_49 = arith.muli %while3A_39, %mul3A_48 : i32
      %multiple_of3A = tpu.assume_multiple %mul3A_49, 8 : i32
      %add3A_50 = arith.addi %mul3A_2, %multiple_of3A : i32
      %dma_start3A_51 = arith.constant 0 : i32
      %dma_start3A_52 = tpu.memref_slice %arg7[%multiple_of3A, %dma_start3A_51] : memref<512x128xf32, #tpu.memory_space<vmem>> -> memref<16x128xf32, #tpu.memory_space<vmem>>
      %dma_start3A_53 = arith.constant 0 : i32
      %dma_start3A_54 = tpu.memref_slice %arg4[%add3A_50, %dma_start3A_53] : memref<16384x128xf32, #tpu.memory_space<hbm>> -> memref<16x128xf32, #tpu.memory_space<hbm>>
      %dma_start3A_55 = arith.constant 0 : i32
      %dma_start3A_56 = tpu.memref_slice %arg4[%add3A_50, %dma_start3A_55] : memref<16384x128xf32, #tpu.memory_space<hbm>> -> memref<16x128xf32, #tpu.memory_space<hbm>>
      %dma_start3A_57 = arith.constant 0 : i32
      %dma_start3A_58 = tpu.memref_slice %arg7[%multiple_of3A, %dma_start3A_57] : memref<512x128xf32, #tpu.memory_space<vmem>> -> memref<16x128xf32, #tpu.memory_space<vmem>>
      tpu.enqueue_dma source(%dma_start3A_58 : memref<16x128xf32, #tpu.memory_space<vmem>>) target(%dma_start3A_56 : memref<16x128xf32, #tpu.memory_space<hbm>>) target_semaphore(%arg10 : memref<!tpu.dma_semaphore, #tpu.memory_space<semaphore_mem>>)
    }
    %while3A_28 = arith.constant 0 : i32
    %while3A_29 = arith.constant 0 : i32
    %while3A_30 = arith.constant 32 : i32
    %while3A_31 = arith.subi %while3A_30, %while3A_29 : i32
    %while3A_32 = arith.addi %while3A_29, %while3A_31 : i32
    %while3A_33 = arith.constant 1 : i32
    %while3A_34 = arith.divsi %while3A_31, %while3A_33 : i32
    %while3A_35 = arith.muli %while3A_34, %while3A_33 : i32
    %while3A_36 = arith.addi %while3A_29, %while3A_35 : i32
    %while3A_37 = arith.constant 1 : i32
    scf.for %while3A_39 = %while3A_29 to %while3A_36 step %while3A_37  : i32 {
      %dma_wait3A_40 = arith.constant 0 : i32
      %dma_wait3A_41 = arith.constant 0 : i32
      %dma_wait3A_42 = tpu.memref_slice %arg7[%dma_wait3A_40, %dma_wait3A_41] : memref<512x128xf32, #tpu.memory_space<vmem>> -> memref<16x128xf32, #tpu.memory_space<vmem>>
      %dma_wait3A_43 = arith.constant 0 : i32
      %dma_wait3A_44 = arith.constant 0 : i32
      %dma_wait3A_45 = tpu.memref_slice %arg4[%dma_wait3A_43, %dma_wait3A_44] : memref<16384x128xf32, #tpu.memory_space<hbm>> -> memref<16x128xf32, #tpu.memory_space<hbm>>
      %dma_wait3A_46 = arith.constant 0 : i32
      %dma_wait3A_47 = arith.constant 0 : i32
      %dma_wait3A_48 = tpu.memref_slice %arg4[%dma_wait3A_46, %dma_wait3A_47] : memref<16384x128xf32, #tpu.memory_space<hbm>> -> memref<16x128xf32, #tpu.memory_space<hbm>>
      %dma_wait3A_49 = arith.constant 0 : i32
      %dma_wait3A_50 = arith.constant 0 : i32
      %dma_wait3A_51 = tpu.memref_slice %arg7[%dma_wait3A_49, %dma_wait3A_50] : memref<512x128xf32, #tpu.memory_space<vmem>> -> memref<16x128xf32, #tpu.memory_space<vmem>>
      tpu.wait_dma2 semaphore(%arg10 : memref<!tpu.dma_semaphore, #tpu.memory_space<semaphore_mem>>) src(%dma_wait3A_51 : memref<16x128xf32, #tpu.memory_space<vmem>>) dst(%dma_wait3A_48 : memref<16x128xf32, #tpu.memory_space<hbm>>)
    }
    %while3A_38 = arith.constant 1 : i32
    scf.for %while3A_39 = %while3A_36 to %while3A_32 step %while3A_38  : i32 {
      %dma_wait3A_40 = arith.constant 0 : i32
      %dma_wait3A_41 = arith.constant 0 : i32
      %dma_wait3A_42 = tpu.memref_slice %arg7[%dma_wait3A_40, %dma_wait3A_41] : memref<512x128xf32, #tpu.memory_space<vmem>> -> memref<16x128xf32, #tpu.memory_space<vmem>>
      %dma_wait3A_43 = arith.constant 0 : i32
      %dma_wait3A_44 = arith.constant 0 : i32
      %dma_wait3A_45 = tpu.memref_slice %arg4[%dma_wait3A_43, %dma_wait3A_44] : memref<16384x128xf32, #tpu.memory_space<hbm>> -> memref<16x128xf32, #tpu.memory_space<hbm>>
      %dma_wait3A_46 = arith.constant 0 : i32
      %dma_wait3A_47 = arith.constant 0 : i32
      %dma_wait3A_48 = tpu.memref_slice %arg4[%dma_wait3A_46, %dma_wait3A_47] : memref<16384x128xf32, #tpu.memory_space<hbm>> -> memref<16x128xf32, #tpu.memory_space<hbm>>
      %dma_wait3A_49 = arith.constant 0 : i32
      %dma_wait3A_50 = arith.constant 0 : i32
      %dma_wait3A_51 = tpu.memref_slice %arg7[%dma_wait3A_49, %dma_wait3A_50] : memref<512x128xf32, #tpu.memory_space<vmem>> -> memref<16x128xf32, #tpu.memory_space<vmem>>
      tpu.wait_dma2 semaphore(%arg10 : memref<!tpu.dma_semaphore, #tpu.memory_space<semaphore_mem>>) src(%dma_wait3A_51 : memref<16x128xf32, #tpu.memory_space<vmem>>) dst(%dma_wait3A_48 : memref<16x128xf32, #tpu.memory_space<hbm>>)
    }
    return
  }
}

module attributes {stable_mosaic.version = 14 : i64} {
  func.func @_proj_body(%arg0: i32, %arg1: memref<2048x128xf32, #tpu.memory_space<vmem>>, %arg2: memref<1024x128xf32, #tpu.memory_space<vmem>>, %arg3: memref<2048x1024xf32, #tpu.memory_space<vmem>>) attributes {dimension_semantics = [#tpu.dimension_semantics<arbitrary>], iteration_bounds = array<i64: 8>, scalar_prefetch = 0 : i64, scratch_operands = 0 : i64, tpu.core_type = #tpu.core_type<tc>, window_params = [{transform_indices = @transform_0, window_bounds = array<i64: 2048, 128>}, {pipeline_mode = #tpu.pipeline_mode<synchronous>, transform_indices = @transform_1, window_bounds = array<i64: 1024, 128>}, {transform_indices = @transform_2, window_bounds = array<i64: 2048, 1024>}]} {
    %get3A = arith.constant 0 : index
    %get3A_0 = arith.constant 0 : index
    %get3A_1 = vector.load %arg1[%get3A, %get3A_0] : memref<2048x128xf32, #tpu.memory_space<vmem>>, vector<2048x128xf32>
    %get3A_2 = arith.constant 0 : index
    %get3A_3 = arith.constant 0 : index
    %get3A_4 = vector.load %arg2[%get3A_2, %get3A_3] : memref<1024x128xf32, #tpu.memory_space<vmem>>, vector<1024x128xf32>
    %dot_general3A = arith.constant dense<0.000000e+00> : vector<2048x1024xf32>
    %dot_general3A_5 = tpu.matmul %get3A_1, %get3A_4, %dot_general3A {dimension_numbers = #tpu.dot_dimension_numbers<[1], [1], [0], [0], [0, 0, 1, 0], [], []>, transpose_lhs_hint = false} : vector<2048x128xf32>, vector<1024x128xf32>, vector<2048x1024xf32> -> vector<2048x1024xf32>
    %swap3A = arith.constant 0 : index
    %swap3A_6 = arith.constant 0 : index
    %swap3A_7 = vector.load %arg3[%swap3A, %swap3A_6] : memref<2048x1024xf32, #tpu.memory_space<vmem>>, vector<2048x1024xf32>
    tpu.vector_store %arg3[%swap3A, %swap3A_6], %dot_general3A_5 {strides = array<i32>} : memref<2048x1024xf32, #tpu.memory_space<vmem>>, vector<2048x1024xf32>,
    return
  }
  func.func @transform_0(%arg0: i32) -> (i32, i32) {
    %c0_i32 = arith.constant 0 : i32
    %c0_i32_0 = arith.constant 0 : i32
    return %arg0, %c0_i32 : i32, i32
  }
  func.func @transform_1(%arg0: i32) -> (i32, i32) {
    %c0_i32 = arith.constant 0 : i32
    %c0_i32_0 = arith.constant 0 : i32
    %c0_i32_1 = arith.constant 0 : i32
    return %c0_i32, %c0_i32_0 : i32, i32
  }
  func.func @transform_2(%arg0: i32) -> (i32, i32) {
    %c0_i32 = arith.constant 0 : i32
    %c0_i32_0 = arith.constant 0 : i32
    return %arg0, %c0_i32 : i32, i32
  }
}

</mosaic_0001>

<sc_bundles>
// kernel: kernel.4.cloned.1.call-start
scs
__scs_entry_jumppad:
0x0: {  	(pc) =	sbr.rel $0x88, $3  }
0x1: {  	(tag) =	ssettag $0x0;
	lr =	simm.s32 $0x1  }
0x2: {  	[smem:$0x3F9E] =	sst lr;
	_ =	strace $0xD0000000  }
0x3: {  	_ = 	snop  }
0x4: {  	_ = 	snop  }
0x5: {  	_ = 	snop  }
0x6: {  	_ = 	snop  }
0x7: {  	_ = 	snop  }
__scs_overlays_trampoline_lowered:
0x8: {  	[smem:$0x3FAD] =	sst s0  }
0x9: {  	[smem:$0x3FAE] =	sst s1  }
0xa: {  	[smem:$0x3FAF] =	sst s2  }
0xb: {  	[smem:$0x3FB0] =	sst s3  }
0xc: {  	[smem:$0x3FB1] =	sst s4  }
0xd: {  	[smem:$0x3FB2] =	sst s5  }
0xe: {  	[smem:$0x3FB3] =	sst s6  }
0xf: {  	[smem:$0x3FB4] =	sst s7  }
0x10: {  	[smem:$0x3FB5] =	sst s8  }
0x11: {  	[smem:$0x3FB6] =	sst s9;
	s0 =	simm.s32 @!p0 $0x0  }
0x12: {  	s1 =	sld [smem:$0x3F9C];
	s0 =	simm.s32 @p0 $0x1  }
0x13: {  	[smem:$0x3FB7] =	sst s0;
	s0 =	simm.s32 @!p1 $0x0  }
0x14: {  	s2 =	sld [smem:$0x3F9B];
	s0 =	simm.s32 @p1 $0x1  }
0x15: {  	[smem:$0x3FB8] =	sst s0;
	s0 =	simm.s32 @!p2 $0x0  }
0x16: {  	s3 =	sld [smem:$0x3FDB];
	s0 =	simm.s32 @p2 $0x1  }
0x17: {  	s4 =	simm.s32 $0x1BF5;
	[smem:$0x3FBA] =	sst s0  }
0x18: {  	s0 =	sld [smem:$0x3F9D];
	_ =	swait.ge [sflag:s4], $0x0  }
0x19: {  	s7 =	sld [smem:$0x3F9E]  }
0x1a: {  	s8 =	sadd.s32 $0xFFFFE003, lr  }
0x1b: {  	s9 =	sadd.s32 $0xFFFFFEF7, lr;
	s5 =	simm.s32 $0xFFFFFFFF;
	p2 =	slt.u32 s8, $0xFFFFF086  }
0x1c: {  	p1 =	slt.u32 s9, $0xF7A;
	s5 =	simm.s32 @!p2 $0x0  }
0x1d: {  	s5 =	simm.s32 @p1 $0x1;
	p0 =	seq.s32 s7, s2  }
0x1e: {  	s7 =	smul.u32 @!p0 $0xF7A, s2;
	p2 =	seq.s32 @!p0 s5, $0x0  }
0x1f: {  	s9 =	smul.u32 $0xF7A, s1;
	s8 =	simm.s32 @!p0 $0x1BF5;
	p2 =	por !p2, p0  }
0x20: {  	[sflag:s8] =	ssyncset.s32 @!p0 $0xFFFFF086;
	s6 =	sadd.s32 @!p0 s3, s7;
	s7 =	simm.s32 @!p0 $0x108  }
0x21: {  	s3 =	sadd.s32 s3, s9;
	s6 =	sadd.s32 @!p0 $0x88, s6;
	s7 =	simm.s32 @p2 $0x1082  }
0x22: {  	[simem:s7], [sflag:s8] =	dma.local @!p0 [hbm:s6], $0xF7A  }
0x23: {  	s9 =	sor.u32 $0xD0000000, s2;
	s6 =	simm.s32 $0x108;
	_ =	swait.ge @!p0 [sflag:s8], $0x0  }
0x24: {  	s3 =	sadd.s32 $0x88, s3;
	s6 =	simm.s32 @!p1 $0x1082;
	[sflag:s4] =	ssyncset.s32 $0xFFFFF086  }
0x25: {  	[simem:s6], [sflag:s4] =	dma.local [hbm:s3], $0xF7A  }
0x26: {  	[smem:$0x3F9E] =	sst s1;
	(tag) =	ssettag s2;
	_ =	strace s9  }
0x27: {  	s1 =	sld [smem:$0x3FAE]  }
0x28: {  	s2 =	sld [smem:$0x3FAF]  }
0x29: {  	s4 =	sld [smem:$0x3FB1]  }
0x2a: {  	p0 =	seq.s32 s5, $0x0;
	s5 =	sld [smem:$0x3FB2]  }
0x2b: {  	s6 =	sld [smem:$0x3FB3]  }
0x2c: {  	s7 =	sld [smem:$0x3FB4]  }
0x2d: {  	s3 =	simm.s32 $0x108;
	s8 =	sld [smem:$0x3FB5]  }
0x2e: {  	s3 =	simm.s32 @!p0 $0x1082;
	s9 =	sld [smem:$0x3FB6]  }
0x2f: {  	lr =	sadd.s32 s0, s3;
	s0 =	sld [smem:$0x3FAD]  }
0x30: {  	s3 =	sld [smem:$0x3FB0]  }
0x31: {  	[smem:$0x3FB9] =	sst s10  }
0x32: {  	s10 =	sld [smem:$0x3FB7];
	_ =	sdelay $0x3  }
0x33: {  	p0 =	seq.s32 s10, $0x1;
	s10 =	sld [smem:$0x3FB9];
	_ =	sdelay $0x3  }
0x34: {  	[smem:$0x3FB9] =	sst s10  }
0x35: {  	s10 =	sld [smem:$0x3FB8];
	_ =	sdelay $0x3  }
0x36: {  	p1 =	seq.s32 s10, $0x1;
	s10 =	sld [smem:$0x3FB9];
	_ =	sdelay $0x3  }
0x37: {  	[smem:$0x3FB9] =	sst s10  }
0x38: {  	s10 =	sld [smem:$0x3FBA]  }
0x39: {  	_ = 	snop;
	(pc) =	sbr.ind lr, $3  }
0x3a: {  	_ = 	snop  }
0x3b: {  	_ = 	snop  }
0x3c: {  	p2 =	seq.s32 s10, $0x1;
	s10 =	sld [smem:$0x3FB9]  }
0x3d: {  	_ =	shalt  }
0x3e: {  	_ =	shalt  }
0x3f: {  	_ =	shalt  }
0x40: {  	_ =	shalt  }
0x41: {  	_ =	shalt  }
0x42: {  	_ =	shalt  }
0x43: {  	_ =	shalt  }
0x44: {  	_ =	shalt  }
0x45: {  	_ =	shalt  }
0x46: {  	_ =	shalt  }
0x47: {  	_ =	shalt  }
0x48: {  	_ =	shalt  }
0x49: {  	_ =	shalt  }
0x4a: {  	_ =	shalt  }
0x4b: {  	_ =	shalt  }
0x4c: {  	_ =	shalt  }
0x4d: {  	_ =	shalt  }
0x4e: {  	_ =	shalt  }
0x4f: {  	_ =	shalt  }
0x50: {  	_ =	shalt  }
0x51: {  	_ =	shalt  }
0x52: {  	_ =	shalt  }
0x53: {  	_ =	shalt  }
0x54: {  	_ =	shalt  }
0x55: {  	_ =	shalt  }
0x56: {  	_ =	shalt  }
0x57: {  	_ =	shalt  }
0x58: {  	_ =	shalt  }
0x59: {  	_ =	shalt  }
0x5a: {  	_ =	shalt  }
0x5b: {  	_ =	shalt  }
0x5c: {  	_ =	shalt  }
0x5d: {  	_ =	shalt  }
0x5e: {  	_ =	shalt  }
0x5f: {  	_ =	shalt  }
0x60: {  	_ =	shalt  }
0x61: {  	_ =	shalt  }
0x62: {  	_ =	shalt  }
0x63: {  	_ =	shalt  }
0x64: {  	_ =	shalt  }
0x65: {  	_ =	shalt  }
0x66: {  	_ =	shalt  }
0x67: {  	_ =	shalt  }
0x68: {  	_ =	shalt  }
0x69: {  	_ =	shalt  }
0x6a: {  	_ =	shalt  }
0x6b: {  	_ =	shalt  }
0x6c: {  	_ =	shalt  }
0x6d: {  	_ =	shalt  }
0x6e: {  	_ =	shalt  }
0x6f: {  	_ =	shalt  }
0x70: {  	_ =	shalt  }
0x71: {  	_ =	shalt  }
0x72: {  	_ =	shalt  }
0x73: {  	_ =	shalt  }
0x74: {  	_ =	shalt  }
0x75: {  	_ =	shalt  }
0x76: {  	_ =	shalt  }
0x77: {  	_ =	shalt  }
0x78: {  	_ =	shalt  }
0x79: {  	_ =	shalt  }
0x7a: {  	_ =	shalt  }
0x7b: {  	_ =	shalt  }
0x7c: {  	_ =	shalt  }
0x7d: {  	_ =	shalt  }
0x7e: {  	_ =	shalt  }
0x7f: {  	_ =	shalt  }
0x80: {  	_ =	shalt  }
0x81: {  	_ =	shalt  }
0x82: {  	_ =	shalt  }
0x83: {  	_ =	shalt  }
0x84: {  	_ =	shalt  }
0x85: {  	_ =	shalt  }
0x86: {  	_ =	shalt  }
0x87: {  	_ =	shalt  }
.Lfunc_end0:
.L_simem_size_0:
called_computation_lowered:
.L_overlay_start_0:
0x88: {  	s2 =	sld [smem:$0x3FD9]  }
0x89: {  	s3 =	sld [smem:$0x3FFE];
	_ =	sdelay $0x1  }
0x8a: {  	s1 =	srdreg.scid  }
0x8b: {  	s0 =	sand.u32 $0x1, s1  }
0x8c: {  	s17 =	sshll.u32 s0, $0xA;
	s2 =	sadd.s32 s3, s2  }
0x8d: {  	s2 =	sadd.s32 s2, s17  }
0x8e: {  	[smem:$0x3FC5] =	sst s2  }
0x8f: {  	_ = 	snop  }
0x90: {  	s2 =	sld [smem:$0x3FC8]  }
0x91: {  	s18 =	sld [smem:$0x3FD0];
	(tm) =	ssettm $0x1  }
0x92: {  	s4 =	sld [smem:$0x3FFB];
	_ =	sdelay $0x3  }
0x93: {  	_ =	strace s4  }
0x94: {  	s4 =	sld [smem:$0x3FFC];
	_ =	sdelay $0x3  }
0x95: {  	_ =	strace s4  }
0x96: {  	s4 =	sld [smem:$0x3FFD];
	_ =	sdelay $0x3  }
0x97: {  	_ =	strace s4  }
0x98: {  	_ =	strace $0x8FFFFFFF  }
0x99: {  	s19 =	sld [smem:$0x3FDB];
	_ =	sdelay $0x1  }
0x9a: {  	s5 =	simm.s32 $_scs_section_size  }
0x9b: {  	s6 =	simm.s32 $_size__tile_overlayer_lowered;
	s7 =	simm.s32 $_tile_overlayer_lowered  }
0x9c: {  	s22 =	simm.s32 $0x1BFF;
	s21 =	sshll.u32 s7, $0x1;
	s4 =	sadd.s32 s5, s19  }
0x9d: {  	s8 =	simm.s32 $0x0;
	s20 =	sshll.u32 s6, $0x1;
	s6 =	sadd.s32 s21, s4  }
0x9e: {  	[timem:s8], [sflag:s22] =	dma.local [hbm:s6], s20  }
0x9f: {  	_ =	swait.ge [sflag:s22], s20  }
0xa0: {  	s5 =	ssub.s32 $0x0, s20;
	[sflag:s22] =	ssyncset.done $0x0  }
0xa1: {  	[sflag:s22] =	ssyncadd.s32 s5;
	_ =	sdelay $0x1  }
0xa2: {  	s23 =	simm.s32 $0x1B8B  }
0xa3: {  	_ =	swait.ge [sflag:s23], $0x1  }
0xa4: {  	[sflag:s23] =	ssyncset.done $0x0  }
0xa5: {  	s25 =	simm.s32 $0x1B8E;
	s24 =	sld [smem:$0x3FFE];
	[sflag:s23] =	ssyncadd.s32 $0xFFFFFFFF  }
0xa6: {  	s26 =	simm.s32 $execute0_lowered;
	[smem:$0x3FD2] =	sst s25  }
0xa7: {  	s6 =	sshll.u32 s26, $0x1;
	_ =	strace $0x80000046;
	[dreg:$0x1] =	wrdreg $0xFFFFFFFF  }
0xa8: {  	s28 =	simm.s32 $_size_execute0_lowered;
	s4 =	sadd.s32 s4, s6;
	[dreg:$0x0] =	wrdreg $0x0  }
0xa9: {  	s6 =	sshll.u32 s28, $0x1;
	[dreg:$0x2] =	wrdreg s4  }
0xaa: {  	[dreg:$0x3] =	wrdreg s6  }
0xab: {  	[dreg:$0x4] =	wrdreg $0xC0  }
0xac: {  	_ =	task [dreg:s8], $0x5FFFF  }
0xad: {  	[dreg:$0x1] =	wrdreg $0xFFFFFFFF  }
0xae: {  	[dreg:$0x0] =	wrdreg $0x60  }
0xaf: {  	[dreg:$0x2] =	wrdreg s24  }
0xb0: {  	[dreg:$0x3] =	wrdreg s2  }
0xb1: {  	[dreg:$0x4] =	wrdreg s18  }
0xb2: {  	[dreg:$0x5] =	wrdreg $0x9  }
0xb3: {  	_ =	task.clear_ibuf [dreg:s8], $0x6FFFF;
	_ =	strace $0x90000046  }
0xb4: {  	s29 =	simm.s32 $0x9;
	_ =	strace $0x80000048  }
0xb5: {  	_ =	swait.ge [sflag:s29], $0x1  }
0xb6: {  	[sflag:s29] =	ssyncadd.s32 $0xFFFFFFFF  }
0xb7: {  	_ =	strace $0x90000048  }
0xb8: {  	_ =	sfence  }
0xb9: {  	s30 =	sld [smem:$0x0];
	_ =	sdelay $0x2  }
0xba: {  	s31 =	sshll.u32 s1, $0xD;
	s1 =	sshrl.u32 s1, $0x2  }
0xbb: {  	s3 =	sand.u32 $0x4000, s31;
	s1 =	sadd.s32 s1, s30  }
0xbc: {  	s0 =	sor.u32 s3, s0;
	s1 =	sshll.u32 s1, $0x11  }
0xbd: {  	s0 =	sor.u32 s1, s0  }
0xbe: {  	s0 =	sadd.s32 $0x8F2B, s0  }
0xbf: {  	[sflag:s0] =	ssyncadd.remote.s32 $0x1  }
0xc0: {  	_ =	sfence.sel $0xFFFF  }
0xc1: {  	[dreg:$0x0] =	wrdreg $0xFFFFFFFF;
	(pc) =	sbr.abs _section_cstart, $3  }
0xc2: {  	[dreg:$0x1] =	wrdreg $0xFFFFFFFF  }
0xc3: {  	_ =	task.clear_ibuf [dreg:s8], $0x2FFFF;
	_ =	strace $0x9FFFFFFF  }
0xc4: {  	(tm) =	ssettm $0x7FFFFFFF  }
0xc5: {  	_ =	shalt  }
tec
execute0_lowered:
.L_overlay_start_1:
0x0: {  	(tag) =	ssettag $0x1  }
0x1: {  	s3 =	rddreg [dreg:$0x0]  }
0x2: {  	s0 =	rddreg [dreg:$0x1]  }
0x3: {  	s5 =	rddreg [dreg:$0x2];
	s4 =	srdreg.scid  }
0x4: {  	s25 =	stileid.u32;
	s2 =	simm.s32 $0x0;
	s9 =	simm.s32 $0x1  }
0x5: {  	s30 =	simm.s32 $0x10;
	[dreg:$0x5] =	wrdreg s0;
	s6 =	sand.u32 $0x1, s4  }
0x6: {  	s26 =	sshll.u32 s25, $0x1;
	[smem:$0x7FF] =	sst s2;
	s29 =	sshll.u32 s25, $0xE  }
0x7: {  	v1 =	vimm.s32 $0xECA86420;
	v0 =	vlaneseq.u32;
	vm0 =	vcmask $0xB08;
	s4 =	sor.u32 s6, s26;
	_ =	strace $0x80000047;
	s28 =	ssub.s32 $0x2, s6  }
0x8: {  	vm1 =	vcmask $0x1310;
	vm2 =	vcmask $0x1B18;
	vm3 =	vcmask $0x300;
	s6 =	sshll.u32 s6, $0xD;
	[dreg:$0x6] =	wrdreg s30;
	s7 =	sshll.u32 s4, $0x6  }
0x9: {  	vm4 =	vcmask $0x2320;
	vm5 =	vcmask $0x2B28;
	vm6 =	vcmask $0x3330;
	s4 =	sand.u32 $0x7, s4;
	s8 =	sshrl.u32 s28, $0x1;
	s3 =	sadd.s32 s7, s3  }
0xa: {  	vm7 =	vcmask $0x3B38;
	vm8 =	vmmov $0xff;
	vm9 =	vcmask $0x704;
	p0 =	sne.s32 s4, $0x0;
	s7 =	ssub.s32 s28, s8;
	s1 =	sadd.s32 $0x800, s3  }
0xb: {  	vm10 =	vcmask $0xF0C;
	vm11 =	vcmask $0x1714;
	v1 =	vunpack.c.l.s4.s8 v1;
	s8 =	sadd.s32 s29, s5;
	s9 =	simm.s32 @!p0 $0x0;
	[dreg:$0x7] =	wrdreg s1  }
0xc: {  	vm12 =	vcmask $0x1F1C;
	vm13 =	vcmask $0x2724;
	vm14 =	vcmask $0x2F2C;
	s31 =	smax.u32 s7, $0x1;
	s6 =	sadd.s32 s6, s8;
	[dreg:$0x4] =	wrdreg s9  }
0xd: {  	vm15 =	vcmask $0x3734;
	v2 =	vmul.u32 $0x2, v0;
	v1 =	vunpack.c.0.s8.s32 v1;
	s7 =	simm.s32 $0x2;
	s3 =	simm.s32 $0x0;
	[dreg:$0x8] =	wrdreg s31  }
.LBB2_1:
0xe: {  	[dreg:$0x9] =	wrdreg s3  }
0xf: {  	s0 =	rddreg [dreg:$0x7];
	s31 =	simm.s32 $0x1  }
0x10: {  	[tilespmem:s2], [sflag:$0x1] =	stream.linear.gather [hbm4b:s0+s2], $0x210, $0x38;
	[tilespmem:$0x10480] =	vst v63  }
0x11: {  	_ =	swait.ge [sflag:s31], $0x210  }
0x12: {  	s10 =	simm.s32 $0x480;
	[sflag:s31] =	ssyncset.done $0x0  }
0x13: {  	s13 =	simm.s32 $0x480;
	s12 =	simm.s32 $0x0;
	[sflag:s31] =	ssyncadd.s32 $0xFFFFFDF0  }
.LBB2_2:
0x14: {  	s0 =	sshra.s32 s12, $0x2  }
0x15: {  	p0 =	sne.s32 s12, $0x0;
	s15 =	simm.s32 $0x1;
	v3 =	vld [tilespmem:s0+$0xF]  }
0x16: {  	s14 =	rddreg [dreg:$0x4];
	s15 =	simm.s32 @!p0 $0x0  }
0x17: {  	s14 =	sadd.s32 s14, s15  }
0x18: {  	v4 =	vadd.s32 s14, v0  }
0x19: {  	v5 =	vld [tilespmem:s0+$0x10];
	v4 =	vmin.u32 v4, $0x1  }
0x1a: {  	v3 =	vmul.u32 v3, v4;
	_ =	sdelay $0x1  }
0x1b: {  	v3 =	vmul.u32 $0x3, v3;
	_ =	sdelay $0x1  }
0x1c: {  	v3 =	vadd.s32 v5, v3  }
0x1d: {  	(v2sf) =	vpush v3, $0xD;
	_ =	sdelay $0x1  }
0x1e: {  	(v2sf) =	vpush v3, $0xC;
	_ =	sdelay $0x1  }
0x1f: {  	(v2sf) =	vpush v3, $0xE;
	_ =	sdelay $0x1  }
0x20: {  	(v2sf) =	vpush v3, $0xF;
	_ =	sdelay $0x1  }
0x21: {  	(v2sf) =	vpush v3, $0x9;
	_ =	sdelay $0x1  }
0x22: {  	(v2sf) =	vpush v3, $0x8;
	_ =	sdelay $0x1  }
0x23: {  	(v2sf) =	vpush v3, $0xA;
	_ =	sdelay $0x1  }
0x24: {  	(v2sf) =	vpush v3, $0xB  }
0x25: {  	s9 =	spop (v2sf)  }
0x26: {  	(v2sf) =	vpush v3, $0x0;
	s11 =	smulhi.u32 $0x14F8B589, s9;
	s14 =	sshra.s32 s9, $0x1F  }
0x27: {  	(v2sf) =	vpush v3, $0x1;
	s16 =	spop (v2sf);
	s14 =	smul.u32 $0x14F8B589, s14  }
0x28: {  	s17 =	smulhi.u32 $0x14F8B589, s16;
	s16 =	sshra.s32 s16, $0x1F  }
0x29: {  	(v2sf) =	vpush v3, $0x2;
	s18 =	spop (v2sf);
	s16 =	smul.u32 $0x14F8B589, s16  }
0x2a: {  	s20 =	smulhi.u32 $0x14F8B589, s18;
	s18 =	sshra.s32 s18, $0x1F  }
0x2b: {  	(v2sf) =	vpush v3, $0x3;
	s19 =	spop (v2sf);
	s18 =	smul.u32 $0x14F8B589, s18  }
0x2c: {  	(v2sf) =	vpush v3, $0x4;
	s24 =	smulhi.u32 $0x14F8B589, s19;
	s19 =	sshra.s32 s19, $0x1F  }
0x2d: {  	(v2sf) =	vpush v3, $0x5;
	s21 =	spop (v2sf);
	s19 =	smul.u32 $0x14F8B589, s19  }
0x2e: {  	(v2sf) =	vpush v3, $0x6;
	s25 =	smulhi.u32 $0x14F8B589, s21;
	s21 =	sshra.s32 s21, $0x1F  }
0x2f: {  	(v2sf) =	vpush v3, $0x7;
	s22 =	spop (v2sf);
	s21 =	smul.u32 $0x14F8B589, s21  }
0x30: {  	[dreg:$0xa] =	wrdreg s0;
	s30 =	smulhi.u32 $0x14F8B589, s22;
	s22 =	sshra.s32 s22, $0x1F  }
0x31: {  	s11 =	sadd.s32 s14, s11;
	s23 =	spop (v2sf);
	s22 =	smul.u32 $0x14F8B589, s22  }
0x32: {  	[dreg:$0xb] =	wrdreg s11;
	s1 =	smulhi.u32 $0x14F8B589, s23;
	s23 =	sshra.s32 s23, $0x1F  }
0x33: {  	s17 =	sadd.s32 s16, s17;
	s26 =	spop (v2sf);
	s5 =	smul.u32 $0x14F8B589, s23  }
0x34: {  	s24 =	sadd.s32 s19, s24;
	s9 =	smulhi.u32 $0x14F8B589, s26;
	s26 =	sshra.s32 s26, $0x1F  }
0x35: {  	s28 =	spop (v2sf);
	s21 =	sadd.s32 s21, s25;
	s26 =	smul.u32 $0x14F8B589, s26  }
0x36: {  	s29 =	spop (v2sf);
	s8 =	smulhi.u32 $0x14F8B589, s28;
	s16 =	sshra.s32 s28, $0x1F  }
0x37: {  	s28 =	sshrl.u32 s11, $0x1F;
	s11 =	sshrl.u32 s17, $0x1F;
	s22 =	sadd.s32 s22, s30  }
0x38: {  	s31 =	spop (v2sf);
	s14 =	smul.u32 $0x14F8B589, s16;
	s16 =	sadd.s32 s18, s20  }
0x39: {  	s20 =	smulhi.u32 $0x14F8B589, s29;
	s15 =	sshra.s32 s29, $0x1F;
	s19 =	sadd.s32 s5, s1  }
0x3a: {  	s0 =	spop (v2sf);
	s29 =	sshrl.u32 s16, $0x1F;
	s18 =	smul.u32 $0x14F8B589, s15  }
0x3b: {  	s25 =	smulhi.u32 $0x14F8B589, s31;
	s15 =	sshra.s32 s31, $0x1F;
	s3 =	spop (v2sf)  }
0x3c: {  	s31 =	sshrl.u32 s24, $0x1F;
	s30 =	smul.u32 $0x14F8B589, s15;
	s4 =	spop (v2sf)  }
0x3d: {  	s1 =	smulhi.u32 $0x14F8B589, s0;
	s0 =	sshra.s32 s0, $0x1F;
	s23 =	spop (v2sf)  }
0x3e: {  	s15 =	sadd.s32 s26, s9;
	s5 =	smul.u32 $0x14F8B589, s0;
	s26 =	spop (v2sf)  }
0x3f: {  	s8 =	sadd.s32 s14, s8;
	s14 =	smulhi.u32 $0x14F8B589, s26;
	s9 =	sshra.s32 s26, $0x1F  }
0x40: {  	v62 =	vmov s11;
	s18 =	sadd.s32 s18, s20;
	s0 =	sshrl.u32 s22, $0x1F;
	s9 =	smul.u32 $0x14F8B589, s9  }
0x41: {  	v5 =	vsel vm0, s28, v62;
	s25 =	sadd.s32 s30, s25;
	s30 =	smulhi.u32 $0x14F8B589, s3;
	s3 =	sshra.s32 s3, $0x1F  }
0x42: {  	v5 =	vsel vm1, s29, v5;
	s28 =	sshra.s32 s18, $0xD;
	s3 =	smul.u32 $0x14F8B589, s3;
	s20 =	sadd.s32 s9, s14  }
0x43: {  	v5 =	vsel vm2, s31, v5;
	s1 =	sadd.s32 s5, s1;
	s31 =	sshra.s32 s25, $0x1F;
	s5 =	sshra.s32 s20, $0x1F  }
0x44: {  	s11 =	smulhi.u32 $0x14F8B589, s4;
	s4 =	sshra.s32 s4, $0x1F;
	v61 =	vmov s5;
	s5 =	sshra.s32 s8, $0xD  }
0x45: {  	s3 =	sadd.s32 s3, s30;
	s30 =	sshrl.u32 s8, $0x1F;
	s8 =	sshra.s32 s8, $0x1F;
	v4 =	vsel vm3, s5, v61  }
0x46: {  	s29 =	sshrl.u32 s1, $0x1F;
	s4 =	smul.u32 $0x14F8B589, s4;
	s26 =	sshrl.u32 s21, $0x1F;
	v4 =	vsel vm9, s8, v4  }
0x47: {  	v6 =	vmov s30;
	s30 =	sshrl.u32 s25, $0x1F;
	s5 =	sshrl.u32 s18, $0x1F;
	s18 =	sshra.s32 s18, $0x1F;
	v4 =	vsel vm0, s28, v4  }
0x48: {  	v7 =	vmov s0;
	v6 =	vnsel vm3, $0x0, v6;
	s0 =	sadd.s32 s4, s11;
	s11 =	rddreg [dreg:$0xb];
	s28 =	sshra.s32 s25, $0xD;
	v4 =	vsel vm10, s18, v4  }
0x49: {  	v7 =	vsel vm0, s26, v7;
	s9 =	sshrl.u32 s19, $0x1F;
	v6 =	vsel vm0, s5, v6;
	s5 =	smulhi.u32 $0x14F8B589, s23;
	s23 =	sshra.s32 s23, $0x1F;
	v4 =	vsel vm1, s28, v4  }
0x4a: {  	s14 =	sshrl.u32 s15, $0x1F;
	v7 =	vsel vm1, s9, v7;
	v6 =	vsel vm1, s30, v6;
	s30 =	smul.u32 $0x14F8B589, s23;
	s25 =	sshra.s32 s1, $0xD;
	v4 =	vsel vm11, s31, v4  }
0x4b: {  	s26 =	sshrl.u32 s0, $0x1F;
	v7 =	vsel vm2, s14, v7;
	s23 =	sshrl.u32 s3, $0x1F;
	s1 =	sshra.s32 s1, $0x1F;
	v6 =	vsel vm2, s29, v6;
	v4 =	vsel vm2, s25, v4  }
0x4c: {  	v5 =	vcombine.low v7, v5;
	s29 =	sshra.s32 s3, $0xD;
	v6 =	vsel vm4, s23, v6;
	s5 =	sadd.s32 s30, s5;
	s30 =	sshra.s32 s17, $0xD;
	v4 =	vsel vm12, s1, v4  }
0x4d: {  	s9 =	sshra.s32 s3, $0x1F;
	v6 =	vsel vm5, s26, v6;
	s28 =	sshrl.u32 s5, $0x1F;
	s31 =	sshra.s32 s22, $0xD;
	v63 =	vmov s30;
	v4 =	vsel vm4, s29, v4  }
0x4e: {  	s14 =	sshra.s32 s21, $0xD;
	s3 =	sshra.s32 s11, $0xD;
	s17 =	sshra.s32 s0, $0xD;
	v6 =	vsel vm6, s28, v6;
	v8 =	vmov s31;
	v4 =	vsel vm13, s9, v4  }
0x4f: {  	s19 =	sshra.s32 s19, $0xD;
	s18 =	sshra.s32 s16, $0xD;
	s0 =	sshra.s32 s0, $0x1F;
	v7 =	vsel vm0, s3, v63;
	v8 =	vsel vm0, s14, v8;
	v4 =	vsel vm5, s17, v4  }
0x50: {  	s21 =	sshra.s32 s24, $0xD;
	s22 =	sshra.s32 s15, $0xD;
	s23 =	sshra.s32 s5, $0xD;
	v7 =	vsel vm1, s18, v7;
	v8 =	vsel vm1, s19, v8;
	v4 =	vsel vm14, s0, v4  }
0x51: {  	s24 =	sshrl.u32 s20, $0x1F;
	s25 =	sshra.s32 s5, $0x1F;
	v7 =	vsel vm2, s21, v7;
	v8 =	vsel vm2, s22, v8;
	v4 =	vsel vm6, s23, v4  }
0x52: {  	s26 =	sshra.s32 s20, $0xD;
	v6 =	vsel vm7, s24, v6;
	v7 =	vcombine.low v8, v7;
	v4 =	vsel vm15, s25, v4  }
0x53: {  	v5 =	vperm.xlane v5, v1;
	v6 =	vperm.xlane v6, v2;
	v4 =	vsel vm7, s26, v4  }
0x54: {  	v7 =	vperm.xlane v7, v1;
	v4 =	vperm.xlane v4, v2;
	_ =	sdelay $0x1  }
0x55: {  	v5 =	vsel vm8, v6, v5;
	v4 =	vsel vm8, v4, v7  }
0x56: {  	v4 =	vadd.s32 v5, v4  }
0x57: {  	p0 =	sne.s32 s12, $0x7C0;
	v4 =	vmul.u32 $0x186A0, v4  }
.Ltmp0:
0x58: {  	s30 =	rddreg [dreg:$0xa];
	(pc) =	sbr.rel @p0 .LBB2_2-.Ltmp0, $4  }
0x59: {  	s28 =	rddreg [dreg:$0x5];
	v3 =	vsub.s32 v3, v4  }
0x5a: {  	s31 =	sadd.s32 $0x280, s30;
	s29 =	rddreg [dreg:$0x6];
	[tilespmem:s30+$0x280] =	vst v3  }
0x5b: {  	[tilespmem:s13], [sflag:$0x2] =	stream.indirect.gather [hbm4b:s28+s29], $0x80, s31, s29, $0xb8;
	[tilespmem:$0x10480] =	vst v63  }
0x5c: {  	s12 =	sadd.s32 $0x40, s12;
	s13 =	sadd.s32 $0x800, s13  }
0x5d: {  	_ =	swait.ge [sflag:s7], $0x800  }
0x5e: {  	[sflag:s7] =	ssyncset.done $0x0  }
0x5f: {  	s0 =	sadd.s32 $0x0, s6;
	s11 =	simm.s32 $0x100;
	[sflag:s7] =	ssyncadd.s32 $0xFFFFF800  }
0x60: {  	[hbm4b:s0+s2] =	stream.linear.scatter [tilespmem:s10], [sflag:$0x3], $0x800, $0x38;
	[tilespmem:$0x10480] =	vst v63  }
.LBB2_4:
0x61: {  	_ =	swait.ge [sflag:s7], $0x800;
	p0 =	sne.s32 s11, $0x1F00  }
.Ltmp1:
0x62: {  	(pc) =	sbr.rel @p0 .LBB2_4-.Ltmp1, $4  }
0x63: {  	_ = 	snop  }
0x64: {  	s0 =	sadd.s32 s11, s6;
	s10 =	sadd.s32 $0x800, s10;
	[sflag:s7] =	ssyncset.done $0x0  }
0x65: {  	s11 =	sadd.s32 $0x100, s11;
	[sflag:s7] =	ssyncadd.s32 $0xFFFFF800  }
0x66: {  	[hbm4b:s0+s2] =	stream.linear.scatter [tilespmem:s10], [sflag:$0x3], $0x800, $0x38;
	[tilespmem:$0x10480] =	vst v63  }
0x67: {  	s1 =	simm.s32 $0x3  }
0x68: {  	_ =	swait.ge [sflag:s1], $0x800  }
0x69: {  	[sflag:s1] =	ssyncset.done $0x0  }
0x6a: {  	[sflag:s1] =	ssyncadd.s32 $0xFFFFF800  }
0x6b: {  	_ =	swait.ge [sflag:s1], $0x800  }
0x6c: {  	[sflag:s1] =	ssyncset.done $0x0  }
0x6d: {  	[sflag:s1] =	ssyncadd.s32 $0xFFFFF800  }
0x6e: {  	_ =	swait.ge [sflag:s1], $0x800  }
0x6f: {  	[sflag:s1] =	ssyncset.done $0x0  }
0x70: {  	[sflag:s1] =	ssyncadd.s32 $0xFFFFF800  }
0x71: {  	_ =	swait.ge [sflag:s1], $0x800  }
0x72: {  	[sflag:s1] =	ssyncset.done $0x0  }
0x73: {  	[sflag:s1] =	ssyncadd.s32 $0xFFFFF800  }
0x74: {  	_ =	swait.ge [sflag:s1], $0x800  }
0x75: {  	[sflag:s1] =	ssyncset.done $0x0  }
0x76: {  	[sflag:s1] =	ssyncadd.s32 $0xFFFFF800  }
0x77: {  	_ =	swait.ge [sflag:s1], $0x800  }
0x78: {  	[sflag:s1] =	ssyncset.done $0x0  }
0x79: {  	[sflag:s1] =	ssyncadd.s32 $0xFFFFF800  }
0x7a: {  	_ =	swait.ge [sflag:s1], $0x800  }
0x7b: {  	[sflag:s1] =	ssyncset.done $0x0  }
0x7c: {  	[sflag:s1] =	ssyncadd.s32 $0xFFFFF800  }
0x7d: {  	_ =	swait.ge [sflag:s1], $0x800  }
0x7e: {  	[sflag:s1] =	ssyncset.done $0x0  }
0x7f: {  	[sflag:s1] =	ssyncadd.s32 $0xFFFFF800  }
0x80: {  	_ =	swait.ge [sflag:s1], $0x800  }
0x81: {  	[sflag:s1] =	ssyncset.done $0x0  }
0x82: {  	[sflag:s1] =	ssyncadd.s32 $0xFFFFF800  }
0x83: {  	_ =	swait.ge [sflag:s1], $0x800  }
0x84: {  	[sflag:s1] =	ssyncset.done $0x0  }
0x85: {  	[sflag:s1] =	ssyncadd.s32 $0xFFFFF800  }
0x86: {  	_ =	swait.ge [sflag:s1], $0x800  }
0x87: {  	[sflag:s1] =	ssyncset.done $0x0  }
0x88: {  	[sflag:s1] =	ssyncadd.s32 $0xFFFFF800  }
0x89: {  	_ =	swait.ge [sflag:s1], $0x800  }
0x8a: {  	[sflag:s1] =	ssyncset.done $0x0  }
0x8b: {  	[sflag:s1] =	ssyncadd.s32 $0xFFFFF800  }
0x8c: {  	_ =	swait.ge [sflag:s1], $0x800  }
0x8d: {  	[sflag:s1] =	ssyncset.done $0x0  }
0x8e: {  	[sflag:s1] =	ssyncadd.s32 $0xFFFFF800  }
0x8f: {  	_ =	swait.ge [sflag:s1], $0x800  }
0x90: {  	[sflag:s1] =	ssyncset.done $0x0  }
0x91: {  	[sflag:s1] =	ssyncadd.s32 $0xFFFFF800  }
0x92: {  	_ =	swait.ge [sflag:s1], $0x800  }
0x93: {  	[sflag:s1] =	ssyncset.done $0x0  }
0x94: {  	[sflag:s1] =	ssyncadd.s32 $0xFFFFF800  }
0x95: {  	_ =	swait.ge [sflag:s1], $0x800  }
0x96: {  	[sflag:s1] =	ssyncset.done $0x0  }
0x97: {  	[sflag:s1] =	ssyncadd.s32 $0xFFFFF800  }
0x98: {  	_ =	swait.ge [sflag:s1], $0x800  }
0x99: {  	[sflag:s1] =	ssyncset.done $0x0  }
0x9a: {  	[sflag:s1] =	ssyncadd.s32 $0xFFFFF800  }
0x9b: {  	_ =	swait.ge [sflag:s1], $0x800  }
0x9c: {  	[sflag:s1] =	ssyncset.done $0x0  }
0x9d: {  	[sflag:s1] =	ssyncadd.s32 $0xFFFFF800  }
0x9e: {  	_ =	swait.ge [sflag:s1], $0x800  }
0x9f: {  	[sflag:s1] =	ssyncset.done $0x0  }
0xa0: {  	[sflag:s1] =	ssyncadd.s32 $0xFFFFF800  }
0xa1: {  	_ =	swait.ge [sflag:s1], $0x800  }
0xa2: {  	[sflag:s1] =	ssyncset.done $0x0  }
0xa3: {  	[sflag:s1] =	ssyncadd.s32 $0xFFFFF800  }
0xa4: {  	_ =	swait.ge [sflag:s1], $0x800  }
0xa5: {  	[sflag:s1] =	ssyncset.done $0x0  }
0xa6: {  	[sflag:s1] =	ssyncadd.s32 $0xFFFFF800  }
0xa7: {  	_ =	swait.ge [sflag:s1], $0x800  }
0xa8: {  	[sflag:s1] =	ssyncset.done $0x0  }
0xa9: {  	[sflag:s1] =	ssyncadd.s32 $0xFFFFF800  }
0xaa: {  	_ =	swait.ge [sflag:s1], $0x800  }
0xab: {  	[sflag:s1] =	ssyncset.done $0x0  }
0xac: {  	[sflag:s1] =	ssyncadd.s32 $0xFFFFF800  }
0xad: {  	_ =	swait.ge [sflag:s1], $0x800  }
0xae: {  	[sflag:s1] =	ssyncset.done $0x0  }
0xaf: {  	[sflag:s1] =	ssyncadd.s32 $0xFFFFF800  }
0xb0: {  	_ =	swait.ge [sflag:s1], $0x800  }
0xb1: {  	[sflag:s1] =	ssyncset.done $0x0  }
0xb2: {  	[sflag:s1] =	ssyncadd.s32 $0xFFFFF800  }
0xb3: {  	_ =	swait.ge [sflag:s1], $0x800  }
0xb4: {  	[sflag:s1] =	ssyncset.done $0x0  }
0xb5: {  	[sflag:s1] =	ssyncadd.s32 $0xFFFFF800  }
0xb6: {  	_ =	swait.ge [sflag:s1], $0x800  }
0xb7: {  	[sflag:s1] =	ssyncset.done $0x0  }
0xb8: {  	[sflag:s1] =	ssyncadd.s32 $0xFFFFF800  }
0xb9: {  	_ =	swait.ge [sflag:s1], $0x800  }
0xba: {  	[sflag:s1] =	ssyncset.done $0x0  }
0xbb: {  	[sflag:s1] =	ssyncadd.s32 $0xFFFFF800  }
0xbc: {  	_ =	swait.ge [sflag:s1], $0x800  }
0xbd: {  	[sflag:s1] =	ssyncset.done $0x0  }
0xbe: {  	[sflag:s1] =	ssyncadd.s32 $0xFFFFF800  }
0xbf: {  	_ =	swait.ge [sflag:s1], $0x800  }
0xc0: {  	[sflag:s1] =	ssyncset.done $0x0  }
0xc1: {  	[sflag:s1] =	ssyncadd.s32 $0xFFFFF800  }
0xc2: {  	_ =	swait.ge [sflag:s1], $0x800  }
0xc3: {  	[sflag:s1] =	ssyncset.done $0x0  }
0xc4: {  	[sflag:s1] =	ssyncadd.s32 $0xFFFFF800  }
0xc5: {  	_ =	swait.ge [sflag:s1], $0x800  }
0xc6: {  	s3 =	rddreg [dreg:$0x9]  }
0xc7: {  	s0 =	rddreg [dreg:$0x8];
	s3 =	sadd.s32 $0x1, s3  }
0xc8: {  	p0 =	sne.s32 s3, s0  }
.Ltmp2:
0xc9: {  	_ = 	snop;
	(pc) =	sbr.rel @p0 .LBB2_1-.Ltmp2, $3  }
0xca: {  	_ =	sdelay $0x1  }
0xcb: {  	[sflag:s1] =	ssyncset.done $0x0  }
0xcc: {  	[sflag:s1] =	ssyncadd.s32 $0xFFFFF800  }
0xcd: {  	_ =	sfence.sel $0x180000  }
0xce: {  	[bflag:$0x0] =	sbarrier.arrive $0xFFFF  }
0xcf: {  	_ =	strace $0x90000047  }
0xd0: {  	s0 =	stileid.u32;
	[bflag:$0x2] =	sbarrier.arrive $0xFFFF  }
0xd1: {  	p0 =	sne.s32 s0, $0x0;
	s0 =	rddreg [dreg:$0x3]  }
0xd2: {  	s0 =	sadd.s32 @!p0 $0x100000, s0  }
0xd3: {  	[sflag:s0] =	ssyncadd.tile.s32 @!p0 $0x1;
	_ =	shalt  }
.Lfunc_end2:
_tile_overlayer_lowered:
.L_overlay_start_2:
0xd4: {  	(tag) =	ssettag $0x2  }
0xd5: {  	s0 =	rddreg [dreg:$0x0];
	s2 =	stileid.u32  }
0xd6: {  	s1 =	rddreg [dreg:$0x1];
	p0 =	sne.s32 s2, $0x0  }
0xd7: {  	s3 =	rddreg [dreg:$0x2];
	[bflag:$0x3] =	sbarrier.arrive $0xFFFF;
	s2 =	simm.s32 @!p0 $0x1C04  }
0xd8: {  	[timem:s3], [sflag:s2] =	dma.local @!p0 [hbm:s0], s1  }
0xd9: {  	s0 =	simm.s32 @!p0 $0x4  }
0xda: {  	_ =	swait.ge @!p0 [sflag:s0], s1  }
0xdb: {  	s1 =	ssub.s32 @!p0 $0x0, s1;
	[sflag:s0] =	ssyncset.done @!p0 $0x0  }
0xdc: {  	[sflag:s0] =	ssyncadd.s32 @!p0 s1  }
0xdd: {  	[bflag:$0x3] =	sbarrier.arrive $0xFFFF  }
0xde: {  	_ =	shalt  }

</sc_bundles>
